<compile_context>
chip_gen: v7x
topology: tpu7x:2x2x1
jax: 0.10.2.dev20260603
libtpu: 0.0.44.dev20260713+nightly
codegen_flags: <defaults>
</compile_context>

<pallas_src>
import jax
import jax.numpy as jnp
from jax import lax
from jax.experimental import pallas as pl
from jax.experimental.pallas import tpu as pltpu
from jax.experimental.pallas import tpu_sc as plsc

_B, _C, _T = 16, 1024, 4096
_R = _B * _C
_N = _R * _T
_NW = 32
_RPW = _R // _NW
_K = 4
_CHUNK = _K * _T
_NCHUNK = _RPW // _K
_NV = _CHUNK // 16


def _sc_body(cache_hbm, x_hbm, out_hbm, src0, src1, dst0, dst1, xw,
             si0, si1, so0, so1, sxw):
    wid = lax.axis_index("s") * 2 + lax.axis_index("c")
    row0 = wid * _RPW
    lanes = lax.iota(jnp.int32, 16)
    idx_rd = lanes + 1
    idx_xs = lanes * _T + (_T - 1)

    pltpu.make_async_copy(
        x_hbm.at[pl.ds(row0, _RPW)], xw.at[pl.ds(0, _RPW)], sxw
    ).start()

    def start_in(ci, src, si):
        rbase = row0 + ci * _K
        pltpu.make_async_copy(
            cache_hbm.at[pl.ds(rbase * _T, _CHUNK)],
            src.at[pl.ds(0, _CHUNK)],
            si,
        ).start()

    def wait_in(src, si):
        pltpu.make_async_copy(
            cache_hbm.at[pl.ds(0, _CHUNK)], src.at[pl.ds(0, _CHUNK)], si
        ).wait()

    def wait_out(dst, so):
        pltpu.make_async_copy(
            dst.at[pl.ds(0, _CHUNK)], out_hbm.at[pl.ds(0, _CHUNK)], so
        ).wait()

    def do_chunk(ci, src, dst, si, so, drain_prev):
        rbase = row0 + ci * _K
        wait_in(src, si)
        lax.cond(drain_prev, lambda: wait_out(dst, so), lambda: None)

        @plsc.parallel_loop(0, _NV, unroll=8)
        def _shift_loop(i):
            v = plsc.load_gather(src, [idx_rd + i * 16])
            plsc.store_scatter(dst, [lanes + i * 16], v)
        xv = plsc.load_gather(xw, [ci * _K + lanes])
        plsc.store_scatter(dst, [idx_xs], xv, mask=lanes < _K)
        pltpu.make_async_copy(
            dst.at[pl.ds(0, _CHUNK)],
            out_hbm.at[pl.ds(rbase * _T, _CHUNK)],
            so,
        ).start()

    start_in(0, src0, si0)
    start_in(1, src1, si1)
    pltpu.make_async_copy(
        x_hbm.at[pl.ds(0, _RPW)], xw.at[pl.ds(0, _RPW)], sxw
    ).wait()

    def step(i, _):
        ci0 = 2 * i
        do_chunk(ci0, src0, dst0, si0, so0, i > 0)
        lax.cond(
            ci0 + 2 < _NCHUNK,
            lambda: start_in(ci0 + 2, src0, si0),
            lambda: None,
        )
        do_chunk(ci0 + 1, src1, dst1, si1, so1, i > 0)
        lax.cond(
            ci0 + 3 < _NCHUNK,
            lambda: start_in(ci0 + 3, src1, si1),
            lambda: None,
        )
        return ()

    lax.fori_loop(0, _NCHUNK // 2, step, ())
    wait_out(dst0, so0)
    wait_out(dst1, so1)


def kernel(cache, x):
    cache_flat = cache.reshape(_N)
    x_flat = x.reshape(_R)
    mesh = plsc.VectorSubcoreMesh(core_axis_name="c", subcore_axis_name="s")
    out = pl.kernel(
        _sc_body,
        out_type=jax.ShapeDtypeStruct((_N,), cache.dtype),
        mesh=mesh,
        compiler_params=pltpu.CompilerParams(needs_layout_passes=False),
        scratch_types=[
            pltpu.VMEM((_CHUNK + 16,), jnp.float32),
            pltpu.VMEM((_CHUNK + 16,), jnp.float32),
            pltpu.VMEM((_CHUNK,), jnp.float32),
            pltpu.VMEM((_CHUNK,), jnp.float32),
            pltpu.VMEM((_RPW + 16,), jnp.float32),
            pltpu.SemaphoreType.DMA,
            pltpu.SemaphoreType.DMA,
            pltpu.SemaphoreType.DMA,
            pltpu.SemaphoreType.DMA,
            pltpu.SemaphoreType.DMA,
        ],
    )(cache_flat, x_flat)
    return out.reshape(_B, _C, _T)

# --- scband reference (transcript-rebuilt; emitter-appended) ---
"""Pipeline reference for scband-tensor-cache-38319698215414 (READ-ONLY COPY).

The authoritative reference and input builder live on the scoring server;
editing this copy changes nothing except your own understanding.
"""

import jax, jax.numpy as jnp
import numpy as np


def setup_inputs(seed: int = 0) -> dict:
    key = jax.random.key(seed)
    k1, k2 = jax.random.split(key)
    # The __init__ 'tensor' arg: the registered buffer 'cache', shape [B, C, T].
    cache = jax.random.normal(k1, (16, 1024, 4096), dtype=jnp.float32)
    # Forward input x: one new timestep chunk, shape [B, C, t] with t=1.
    x = jax.random.normal(k2, (16, 1024, 1), dtype=jnp.float32)
    return {"cache": cache, "x": x}


def reference(cache, x):
    # Faithful translation of TensorCache.forward:
    #   cache_update = torch.cat((cache[:, :, 1:], x.detach()), dim=2)
    #   self.cache = cache_update; return self.cache
    # detach() -> stop_gradient (irrelevant for fwd-only, kept for fidelity).
    cache_update = jnp.concatenate(
        [cache[:, :, 1:], jax.lax.stop_gradient(x)], axis=2
    )
    return cache_update

if __name__ == "__main__":
    import jax
    _d = setup_inputs()
    print(jax.jit(kernel)(*tuple(_d.values())))

</pallas_src>

<mosaic_0001>
#map = affine_map<(d0, d1) -> (0)>
module attributes {stable_mosaic.version = 14 : i64} {
  func.func @_sc_body(%arg0: i32, %arg1: i32, %arg2: memref<67108864xf32, #tpu.memory_space<hbm>>, %arg3: memref<16384xf32, #tpu.memory_space<hbm>>, %arg4: memref<67108864xf32, #tpu.memory_space<hbm>>, %arg5: memref<16400xf32, #tpu.memory_space<vmem>>, %arg6: memref<16400xf32, #tpu.memory_space<vmem>>, %arg7: memref<16384xf32, #tpu.memory_space<vmem>>, %arg8: memref<16384xf32, #tpu.memory_space<vmem>>, %arg9: memref<528xf32, #tpu.memory_space<vmem>>, %arg10: memref<!tpu.dma_semaphore, #tpu.memory_space<semaphore_mem>>, %arg11: memref<!tpu.dma_semaphore, #tpu.memory_space<semaphore_mem>>, %arg12: memref<!tpu.dma_semaphore, #tpu.memory_space<semaphore_mem>>, %arg13: memref<!tpu.dma_semaphore, #tpu.memory_space<semaphore_mem>>, %arg14: memref<!tpu.dma_semaphore, #tpu.memory_space<semaphore_mem>>) attributes {dimension_semantics = [#tpu.dimension_semantics<core_parallel>, #tpu.dimension_semantics<subcore_parallel>], iteration_bounds = array<i64: 2, 16>, scalar_prefetch = 0 : i64, scratch_operands = 10 : i64, tpu.core_type = #tpu.core_type<sc_vector_subcore>, window_params = [{transform_indices = #map}, {transform_indices = #map}, {transform_indices = #map}]} {
    %mul3A = arith.constant 2 : i32
    %mul3A_0 = arith.muli %arg1, %mul3A : i32
    %add3A = arith.addi %mul3A_0, %arg0 : i32
    %mul3A_1 = arith.constant 512 : i32
    %mul3A_2 = arith.muli %add3A, %mul3A_1 : i32
    %iota3A = tpu.iota {dimensions = array<i32: 0>} : vector<16xi32>
    %add3A_3 = arith.constant 1 : i32
    %add3A_4 = vector.broadcast %add3A_3 : i32 to vector<16xi32>
    %add3A_5 = arith.addi %iota3A, %add3A_4 : vector<16xi32>
    %mul3A_6 = arith.constant 4096 : i32
    %mul3A_7 = vector.broadcast %mul3A_6 : i32 to vector<16xi32>
    %mul3A_8 = arith.muli %iota3A, %mul3A_7 : vector<16xi32>
    %add3A_9 = arith.constant 4095 : i32
    %add3A_10 = vector.broadcast %add3A_9 : i32 to vector<16xi32>
    %add3A_11 = arith.addi %mul3A_8, %add3A_10 : vector<16xi32>
    %dma_start3A = arith.constant 0 : i32
    %dma_start3A_12 = tpu.memref_slice %arg9[%dma_start3A] : memref<528xf32, #tpu.memory_space<vmem>> -> memref<512xf32, #tpu.memory_space<vmem>>
    %dma_start3A_13 = tpu.memref_slice %arg3[%mul3A_2] : memref<16384xf32, #tpu.memory_space<hbm>> -> memref<512xf32, #tpu.memory_space<hbm>>
    %dma_start3A_14 = arith.constant 0 : i32
    %dma_start3A_15 = tpu.memref_slice %arg9[%dma_start3A_14] : memref<528xf32, #tpu.memory_space<vmem>> -> memref<512xf32, #tpu.memory_space<vmem>>
    %dma_start3A_16 = tpu.memref_slice %arg3[%mul3A_2] : memref<16384xf32, #tpu.memory_space<hbm>> -> memref<512xf32, #tpu.memory_space<hbm>>
    tpu.enqueue_dma source(%dma_start3A_16 : memref<512xf32, #tpu.memory_space<hbm>>) target(%dma_start3A_15 : memref<512xf32, #tpu.memory_space<vmem>>) target_semaphore(%arg14 : memref<!tpu.dma_semaphore, #tpu.memory_space<semaphore_mem>>)
    %add3A_17 = arith.constant 0 : i32
    %add3A_18 = arith.addi %mul3A_2, %add3A_17 : i32
    %mul3A_19 = arith.constant 4096 : i32
    %mul3A_20 = arith.muli %add3A_18, %mul3A_19 : i32
    %dma_start3A_21 = arith.constant 0 : i32
    %dma_start3A_22 = tpu.memref_slice %arg5[%dma_start3A_21] : memref<16400xf32, #tpu.memory_space<vmem>> -> memref<16384xf32, #tpu.memory_space<vmem>>
    %dma_start3A_23 = tpu.memref_slice %arg2[%mul3A_20] : memref<67108864xf32, #tpu.memory_space<hbm>> -> memref<16384xf32, #tpu.memory_space<hbm>>
    %dma_start3A_24 = arith.constant 0 : i32
    %dma_start3A_25 = tpu.memref_slice %arg5[%dma_start3A_24] : memref<16400xf32, #tpu.memory_space<vmem>> -> memref<16384xf32, #tpu.memory_space<vmem>>
    %dma_start3A_26 = tpu.memref_slice %arg2[%mul3A_20] : memref<67108864xf32, #tpu.memory_space<hbm>> -> memref<16384xf32, #tpu.memory_space<hbm>>
    tpu.enqueue_dma source(%dma_start3A_26 : memref<16384xf32, #tpu.memory_space<hbm>>) target(%dma_start3A_25 : memref<16384xf32, #tpu.memory_space<vmem>>) target_semaphore(%arg10 : memref<!tpu.dma_semaphore, #tpu.memory_space<semaphore_mem>>)
    %add3A_27 = arith.constant 4 : i32
    %add3A_28 = arith.addi %mul3A_2, %add3A_27 : i32
    %mul3A_29 = arith.constant 4096 : i32
    %mul3A_30 = arith.muli %add3A_28, %mul3A_29 : i32
    %dma_start3A_31 = arith.constant 0 : i32
    %dma_start3A_32 = tpu.memref_slice %arg6[%dma_start3A_31] : memref<16400xf32, #tpu.memory_space<vmem>> -> memref<16384xf32, #tpu.memory_space<vmem>>
    %dma_start3A_33 = tpu.memref_slice %arg2[%mul3A_30] : memref<67108864xf32, #tpu.memory_space<hbm>> -> memref<16384xf32, #tpu.memory_space<hbm>>
    %dma_start3A_34 = arith.constant 0 : i32
    %dma_start3A_35 = tpu.memref_slice %arg6[%dma_start3A_34] : memref<16400xf32, #tpu.memory_space<vmem>> -> memref<16384xf32, #tpu.memory_space<vmem>>
    %dma_start3A_36 = tpu.memref_slice %arg2[%mul3A_30] : memref<67108864xf32, #tpu.memory_space<hbm>> -> memref<16384xf32, #tpu.memory_space<hbm>>
    tpu.enqueue_dma source(%dma_start3A_36 : memref<16384xf32, #tpu.memory_space<hbm>>) target(%dma_start3A_35 : memref<16384xf32, #tpu.memory_space<vmem>>) target_semaphore(%arg11 : memref<!tpu.dma_semaphore, #tpu.memory_space<semaphore_mem>>)
    %dma_wait3A = arith.constant 0 : i32
    %dma_wait3A_37 = tpu.memref_slice %arg9[%dma_wait3A] : memref<528xf32, #tpu.memory_space<vmem>> -> memref<512xf32, #tpu.memory_space<vmem>>
    %dma_wait3A_38 = arith.constant 0 : i32
    %dma_wait3A_39 = tpu.memref_slice %arg3[%dma_wait3A_38] : memref<16384xf32, #tpu.memory_space<hbm>> -> memref<512xf32, #tpu.memory_space<hbm>>
    %dma_wait3A_40 = arith.constant 0 : i32
    %dma_wait3A_41 = tpu.memref_slice %arg9[%dma_wait3A_40] : memref<528xf32, #tpu.memory_space<vmem>> -> memref<512xf32, #tpu.memory_space<vmem>>
    %dma_wait3A_42 = arith.constant 0 : i32
    %dma_wait3A_43 = tpu.memref_slice %arg3[%dma_wait3A_42] : memref<16384xf32, #tpu.memory_space<hbm>> -> memref<512xf32, #tpu.memory_space<hbm>>
    tpu.wait_dma2 semaphore(%arg14 : memref<!tpu.dma_semaphore, #tpu.memory_space<semaphore_mem>>) src(%dma_wait3A_43 : memref<512xf32, #tpu.memory_space<hbm>>) dst(%dma_wait3A_41 : memref<512xf32, #tpu.memory_space<vmem>>)
    %scan3A = arith.constant 0 : i32
    %scan3A_44 = arith.constant 64 : i32
    %scan3A_45 = arith.addi %scan3A, %scan3A_44 : i32
    %scan3A_46 = arith.constant 1 : i32
    scf.for %scan3A_64 = %scan3A to %scan3A_45 step %scan3A_46  : i32 {
      %mul3A_65 = arith.constant 2 : i32
      %mul3A_66 = arith.muli %mul3A_65, %scan3A_64 : i32
      %gt3A = arith.constant 0 : i32
      %gt3A_67 = arith.cmpi sgt, %scan3A_64, %gt3A : i32
      %mul3A_68 = arith.constant 4 : i32
      %mul3A_69 = arith.muli %mul3A_66, %mul3A_68 : i32
      %add3A_70 = arith.addi %mul3A_2, %mul3A_69 : i32
      %dma_wait3A_71 = arith.constant 0 : i32
      %dma_wait3A_72 = tpu.memref_slice %arg5[%dma_wait3A_71] : memref<16400xf32, #tpu.memory_space<vmem>> -> memref<16384xf32, #tpu.memory_space<vmem>>
      %dma_wait3A_73 = arith.constant 0 : i32
      %dma_wait3A_74 = tpu.memref_slice %arg2[%dma_wait3A_73] : memref<67108864xf32, #tpu.memory_space<hbm>> -> memref<16384xf32, #tpu.memory_space<hbm>>
      %dma_wait3A_75 = arith.constant 0 : i32
      %dma_wait3A_76 = tpu.memref_slice %arg5[%dma_wait3A_75] : memref<16400xf32, #tpu.memory_space<vmem>> -> memref<16384xf32, #tpu.memory_space<vmem>>
      %dma_wait3A_77 = arith.constant 0 : i32
      %dma_wait3A_78 = tpu.memref_slice %arg2[%dma_wait3A_77] : memref<67108864xf32, #tpu.memory_space<hbm>> -> memref<16384xf32, #tpu.memory_space<hbm>>
      tpu.wait_dma2 semaphore(%arg10 : memref<!tpu.dma_semaphore, #tpu.memory_space<semaphore_mem>>) src(%dma_wait3A_78 : memref<16384xf32, #tpu.memory_space<hbm>>) dst(%dma_wait3A_76 : memref<16384xf32, #tpu.memory_space<vmem>>)
      %convert_element_type3A = arith.extui %gt3A_67 : i1 to i32
      %cond3A = arith.constant 0 : i32
      %cond3A_79 = arith.cmpi ne, %convert_element_type3A, %cond3A : i32
      scf.if %cond3A_79 {
        %dma_wait3A_147 = arith.constant 0 : i32
        %dma_wait3A_148 = tpu.memref_slice %arg7[%dma_wait3A_147] : memref<16384xf32, #tpu.memory_space<vmem>> -> memref<16384xf32, #tpu.memory_space<vmem>>
        %dma_wait3A_149 = arith.constant 0 : i32
        %dma_wait3A_150 = tpu.memref_slice %arg4[%dma_wait3A_149] : memref<67108864xf32, #tpu.memory_space<hbm>> -> memref<16384xf32, #tpu.memory_space<hbm>>
        %dma_wait3A_151 = arith.constant 0 : i32
        %dma_wait3A_152 = tpu.memref_slice %arg4[%dma_wait3A_151] : memref<67108864xf32, #tpu.memory_space<hbm>> -> memref<16384xf32, #tpu.memory_space<hbm>>
        %dma_wait3A_153 = arith.constant 0 : i32
        %dma_wait3A_154 = tpu.memref_slice %arg7[%dma_wait3A_153] : memref<16384xf32, #tpu.memory_space<vmem>> -> memref<16384xf32, #tpu.memory_space<vmem>>
        tpu.wait_dma2 semaphore(%arg12 : memref<!tpu.dma_semaphore, #tpu.memory_space<semaphore_mem>>) src(%dma_wait3A_154 : memref<16384xf32, #tpu.memory_space<vmem>>) dst(%dma_wait3A_152 : memref<16384xf32, #tpu.memory_space<hbm>>)
      } else {
      }
      %parallel_loop3A = arith.constant 0 : i32
      %parallel_loop3A_80 = arith.constant 1024 : i32
      %parallel_loop3A_81 = arith.constant 1 : i32
      scf.for %parallel_loop3A_147 = %parallel_loop3A to %parallel_loop3A_80 step %parallel_loop3A_81  : i32 {
        %parallel_loop3A_148 = arith.constant 16 : i32
        %parallel_loop3A_149 = arith.muli %parallel_loop3A_147, %parallel_loop3A_148 : i32
        %parallel_loop3A_150 = vector.broadcast %parallel_loop3A_149 : i32 to vector<16xi32>
        %parallel_loop3A_151 = arith.addi %add3A_5, %parallel_loop3A_150 : vector<16xi32>
        %parallel_loop3A_152 = tpu.vector_load_idx %arg5[%parallel_loop3A_151] : memref<16400xf32, #tpu.memory_space<vmem>>[vector<16xi32>], vector<16xf32>,
        %parallel_loop3A_153 = arith.constant 16 : i32
        %parallel_loop3A_154 = arith.muli %parallel_loop3A_147, %parallel_loop3A_153 : i32
        %parallel_loop3A_155 = vector.broadcast %parallel_loop3A_154 : i32 to vector<16xi32>
        %parallel_loop3A_156 = arith.addi %iota3A, %parallel_loop3A_155 : vector<16xi32>
        tpu.vector_store_idx %arg7[%parallel_loop3A_156], %parallel_loop3A_152 : memref<16384xf32, #tpu.memory_space<vmem>>[vector<16xi32>], vector<16xf32>,
      } {sc.loop_unroll_factor = 8 : i64, sc.parallel_access}
      %mul3A_82 = arith.constant 4 : i32
      %mul3A_83 = arith.muli %mul3A_66, %mul3A_82 : i32
      %add3A_84 = vector.broadcast %mul3A_83 : i32 to vector<16xi32>
      %add3A_85 = arith.addi %add3A_84, %iota3A : vector<16xi32>
      %gather3A = tpu.vector_load_idx %arg9[%add3A_85] : memref<528xf32, #tpu.memory_space<vmem>>[vector<16xi32>], vector<16xf32>,
      %lt3A = arith.constant 4 : i32
      %lt3A_86 = vector.broadcast %lt3A : i32 to vector<16xi32>
      %lt3A_87 = arith.cmpi slt, %iota3A, %lt3A_86 : vector<16xi32>
      tpu.vector_store_idx %arg7[%add3A_11], %gather3A masked %lt3A_87 : memref<16384xf32, #tpu.memory_space<vmem>>[vector<16xi32>], vector<16xf32>, vector<16xi1>
      %mul3A_88 = arith.constant 4096 : i32
      %mul3A_89 = arith.muli %add3A_70, %mul3A_88 : i32
      %dma_start3A_90 = arith.constant 0 : i32
      %dma_start3A_91 = tpu.memref_slice %arg7[%dma_start3A_90] : memref<16384xf32, #tpu.memory_space<vmem>> -> memref<16384xf32, #tpu.memory_space<vmem>>
      %dma_start3A_92 = tpu.memref_slice %arg4[%mul3A_89] : memref<67108864xf32, #tpu.memory_space<hbm>> -> memref<16384xf32, #tpu.memory_space<hbm>>
      %dma_start3A_93 = tpu.memref_slice %arg4[%mul3A_89] : memref<67108864xf32, #tpu.memory_space<hbm>> -> memref<16384xf32, #tpu.memory_space<hbm>>
      %dma_start3A_94 = arith.constant 0 : i32
      %dma_start3A_95 = tpu.memref_slice %arg7[%dma_start3A_94] : memref<16384xf32, #tpu.memory_space<vmem>> -> memref<16384xf32, #tpu.memory_space<vmem>>
      tpu.enqueue_dma source(%dma_start3A_95 : memref<16384xf32, #tpu.memory_space<vmem>>) target(%dma_start3A_93 : memref<16384xf32, #tpu.memory_space<hbm>>) target_semaphore(%arg12 : memref<!tpu.dma_semaphore, #tpu.memory_space<semaphore_mem>>)
      %add3A_96 = arith.constant 2 : i32
      %add3A_97 = arith.addi %mul3A_66, %add3A_96 : i32
      %lt3A_98 = arith.constant 128 : i32
      %lt3A_99 = arith.cmpi slt, %add3A_97, %lt3A_98 : i32
      %convert_element_type3A_100 = arith.extui %lt3A_99 : i1 to i32
      %cond3A_101 = arith.constant 0 : i32
      %cond3A_102 = arith.cmpi ne, %convert_element_type3A_100, %cond3A_101 : i32
      scf.if %cond3A_102 {
        %add3A_147 = arith.constant 2 : i32
        %add3A_148 = arith.addi %mul3A_66, %add3A_147 : i32
        %mul3A_149 = arith.constant 4 : i32
        %mul3A_150 = arith.muli %add3A_148, %mul3A_149 : i32
        %add3A_151 = arith.addi %mul3A_2, %mul3A_150 : i32
        %mul3A_152 = arith.constant 4096 : i32
        %mul3A_153 = arith.muli %add3A_151, %mul3A_152 : i32
        %dma_start3A_154 = arith.constant 0 : i32
        %dma_start3A_155 = tpu.memref_slice %arg5[%dma_start3A_154] : memref<16400xf32, #tpu.memory_space<vmem>> -> memref<16384xf32, #tpu.memory_space<vmem>>
        %dma_start3A_156 = tpu.memref_slice %arg2[%mul3A_153] : memref<67108864xf32, #tpu.memory_space<hbm>> -> memref<16384xf32, #tpu.memory_space<hbm>>
        %dma_start3A_157 = arith.constant 0 : i32
        %dma_start3A_158 = tpu.memref_slice %arg5[%dma_start3A_157] : memref<16400xf32, #tpu.memory_space<vmem>> -> memref<16384xf32, #tpu.memory_space<vmem>>
        %dma_start3A_159 = tpu.memref_slice %arg2[%mul3A_153] : memref<67108864xf32, #tpu.memory_space<hbm>> -> memref<16384xf32, #tpu.memory_space<hbm>>
        tpu.enqueue_dma source(%dma_start3A_159 : memref<16384xf32, #tpu.memory_space<hbm>>) target(%dma_start3A_158 : memref<16384xf32, #tpu.memory_space<vmem>>) target_semaphore(%arg10 : memref<!tpu.dma_semaphore, #tpu.memory_space<semaphore_mem>>)
      } else {
      }
      %add3A_103 = arith.constant 1 : i32
      %add3A_104 = arith.addi %mul3A_66, %add3A_103 : i32
      %gt3A_105 = arith.constant 0 : i32
      %gt3A_106 = arith.cmpi sgt, %scan3A_64, %gt3A_105 : i32
      %mul3A_107 = arith.constant 4 : i32
      %mul3A_108 = arith.muli %add3A_104, %mul3A_107 : i32
      %add3A_109 = arith.addi %mul3A_2, %mul3A_108 : i32
      %dma_wait3A_110 = arith.constant 0 : i32
      %dma_wait3A_111 = tpu.memref_slice %arg6[%dma_wait3A_110] : memref<16400xf32, #tpu.memory_space<vmem>> -> memref<16384xf32, #tpu.memory_space<vmem>>
      %dma_wait3A_112 = arith.constant 0 : i32
      %dma_wait3A_113 = tpu.memref_slice %arg2[%dma_wait3A_112] : memref<67108864xf32, #tpu.memory_space<hbm>> -> memref<16384xf32, #tpu.memory_space<hbm>>
      %dma_wait3A_114 = arith.constant 0 : i32
      %dma_wait3A_115 = tpu.memref_slice %arg6[%dma_wait3A_114] : memref<16400xf32, #tpu.memory_space<vmem>> -> memref<16384xf32, #tpu.memory_space<vmem>>
      %dma_wait3A_116 = arith.constant 0 : i32
      %dma_wait3A_117 = tpu.memref_slice %arg2[%dma_wait3A_116] : memref<67108864xf32, #tpu.memory_space<hbm>> -> memref<16384xf32, #tpu.memory_space<hbm>>
      tpu.wait_dma2 semaphore(%arg11 : memref<!tpu.dma_semaphore, #tpu.memory_space<semaphore_mem>>) src(%dma_wait3A_117 : memref<16384xf32, #tpu.memory_space<hbm>>) dst(%dma_wait3A_115 : memref<16384xf32, #tpu.memory_space<vmem>>)
      %convert_element_type3A_118 = arith.extui %gt3A_106 : i1 to i32
      %cond3A_119 = arith.constant 0 : i32
      %cond3A_120 = arith.cmpi ne, %convert_element_type3A_118, %cond3A_119 : i32
      scf.if %cond3A_120 {
        %dma_wait3A_147 = arith.constant 0 : i32
        %dma_wait3A_148 = tpu.memref_slice %arg8[%dma_wait3A_147] : memref<16384xf32, #tpu.memory_space<vmem>> -> memref<16384xf32, #tpu.memory_space<vmem>>
        %dma_wait3A_149 = arith.constant 0 : i32
        %dma_wait3A_150 = tpu.memref_slice %arg4[%dma_wait3A_149] : memref<67108864xf32, #tpu.memory_space<hbm>> -> memref<16384xf32, #tpu.memory_space<hbm>>
        %dma_wait3A_151 = arith.constant 0 : i32
        %dma_wait3A_152 = tpu.memref_slice %arg4[%dma_wait3A_151] : memref<67108864xf32, #tpu.memory_space<hbm>> -> memref<16384xf32, #tpu.memory_space<hbm>>
        %dma_wait3A_153 = arith.constant 0 : i32
        %dma_wait3A_154 = tpu.memref_slice %arg8[%dma_wait3A_153] : memref<16384xf32, #tpu.memory_space<vmem>> -> memref<16384xf32, #tpu.memory_space<vmem>>
        tpu.wait_dma2 semaphore(%arg13 : memref<!tpu.dma_semaphore, #tpu.memory_space<semaphore_mem>>) src(%dma_wait3A_154 : memref<16384xf32, #tpu.memory_space<vmem>>) dst(%dma_wait3A_152 : memref<16384xf32, #tpu.memory_space<hbm>>)
      } else {
      }
      %parallel_loop3A_121 = arith.constant 0 : i32
      %parallel_loop3A_122 = arith.constant 1024 : i32
      %parallel_loop3A_123 = arith.constant 1 : i32
      scf.for %parallel_loop3A_147 = %parallel_loop3A_121 to %parallel_loop3A_122 step %parallel_loop3A_123  : i32 {
        %parallel_loop3A_148 = arith.constant 16 : i32
        %parallel_loop3A_149 = arith.muli %parallel_loop3A_147, %parallel_loop3A_148 : i32
        %parallel_loop3A_150 = vector.broadcast %parallel_loop3A_149 : i32 to vector<16xi32>
        %parallel_loop3A_151 = arith.addi %add3A_5, %parallel_loop3A_150 : vector<16xi32>
        %parallel_loop3A_152 = tpu.vector_load_idx %arg6[%parallel_loop3A_151] : memref<16400xf32, #tpu.memory_space<vmem>>[vector<16xi32>], vector<16xf32>,
        %parallel_loop3A_153 = arith.constant 16 : i32
        %parallel_loop3A_154 = arith.muli %parallel_loop3A_147, %parallel_loop3A_153 : i32
        %parallel_loop3A_155 = vector.broadcast %parallel_loop3A_154 : i32 to vector<16xi32>
        %parallel_loop3A_156 = arith.addi %iota3A, %parallel_loop3A_155 : vector<16xi32>
        tpu.vector_store_idx %arg8[%parallel_loop3A_156], %parallel_loop3A_152 : memref<16384xf32, #tpu.memory_space<vmem>>[vector<16xi32>], vector<16xf32>,
      } {sc.loop_unroll_factor = 8 : i64, sc.parallel_access}
      %mul3A_124 = arith.constant 4 : i32
      %mul3A_125 = arith.muli %add3A_104, %mul3A_124 : i32
      %add3A_126 = vector.broadcast %mul3A_125 : i32 to vector<16xi32>
      %add3A_127 = arith.addi %add3A_126, %iota3A : vector<16xi32>
      %gather3A_128 = tpu.vector_load_idx %arg9[%add3A_127] : memref<528xf32, #tpu.memory_space<vmem>>[vector<16xi32>], vector<16xf32>,
      %lt3A_129 = arith.constant 4 : i32
      %lt3A_130 = vector.broadcast %lt3A_129 : i32 to vector<16xi32>
      %lt3A_131 = arith.cmpi slt, %iota3A, %lt3A_130 : vector<16xi32>
      tpu.vector_store_idx %arg8[%add3A_11], %gather3A_128 masked %lt3A_131 : memref<16384xf32, #tpu.memory_space<vmem>>[vector<16xi32>], vector<16xf32>, vector<16xi1>
      %mul3A_132 = arith.constant 4096 : i32
      %mul3A_133 = arith.muli %add3A_109, %mul3A_132 : i32
      %dma_start3A_134 = arith.constant 0 : i32
      %dma_start3A_135 = tpu.memref_slice %arg8[%dma_start3A_134] : memref<16384xf32, #tpu.memory_space<vmem>> -> memref<16384xf32, #tpu.memory_space<vmem>>
      %dma_start3A_136 = tpu.memref_slice %arg4[%mul3A_133] : memref<67108864xf32, #tpu.memory_space<hbm>> -> memref<16384xf32, #tpu.memory_space<hbm>>
      %dma_start3A_137 = tpu.memref_slice %arg4[%mul3A_133] : memref<67108864xf32, #tpu.memory_space<hbm>> -> memref<16384xf32, #tpu.memory_space<hbm>>
      %dma_start3A_138 = arith.constant 0 : i32
      %dma_start3A_139 = tpu.memref_slice %arg8[%dma_start3A_138] : memref<16384xf32, #tpu.memory_space<vmem>> -> memref<16384xf32, #tpu.memory_space<vmem>>
      tpu.enqueue_dma source(%dma_start3A_139 : memref<16384xf32, #tpu.memory_space<vmem>>) target(%dma_start3A_137 : memref<16384xf32, #tpu.memory_space<hbm>>) target_semaphore(%arg13 : memref<!tpu.dma_semaphore, #tpu.memory_space<semaphore_mem>>)
      %add3A_140 = arith.constant 3 : i32
      %add3A_141 = arith.addi %mul3A_66, %add3A_140 : i32
      %lt3A_142 = arith.constant 128 : i32
      %lt3A_143 = arith.cmpi slt, %add3A_141, %lt3A_142 : i32
      %convert_element_type3A_144 = arith.extui %lt3A_143 : i1 to i32
      %cond3A_145 = arith.constant 0 : i32
      %cond3A_146 = arith.cmpi ne, %convert_element_type3A_144, %cond3A_145 : i32
      scf.if %cond3A_146 {
        %add3A_147 = arith.constant 3 : i32
        %add3A_148 = arith.addi %mul3A_66, %add3A_147 : i32
        %mul3A_149 = arith.constant 4 : i32
        %mul3A_150 = arith.muli %add3A_148, %mul3A_149 : i32
        %add3A_151 = arith.addi %mul3A_2, %mul3A_150 : i32
        %mul3A_152 = arith.constant 4096 : i32
        %mul3A_153 = arith.muli %add3A_151, %mul3A_152 : i32
        %dma_start3A_154 = arith.constant 0 : i32
        %dma_start3A_155 = tpu.memref_slice %arg6[%dma_start3A_154] : memref<16400xf32, #tpu.memory_space<vmem>> -> memref<16384xf32, #tpu.memory_space<vmem>>
        %dma_start3A_156 = tpu.memref_slice %arg2[%mul3A_153] : memref<67108864xf32, #tpu.memory_space<hbm>> -> memref<16384xf32, #tpu.memory_space<hbm>>
        %dma_start3A_157 = arith.constant 0 : i32
        %dma_start3A_158 = tpu.memref_slice %arg6[%dma_start3A_157] : memref<16400xf32, #tpu.memory_space<vmem>> -> memref<16384xf32, #tpu.memory_space<vmem>>
        %dma_start3A_159 = tpu.memref_slice %arg2[%mul3A_153] : memref<67108864xf32, #tpu.memory_space<hbm>> -> memref<16384xf32, #tpu.memory_space<hbm>>
        tpu.enqueue_dma source(%dma_start3A_159 : memref<16384xf32, #tpu.memory_space<hbm>>) target(%dma_start3A_158 : memref<16384xf32, #tpu.memory_space<vmem>>) target_semaphore(%arg11 : memref<!tpu.dma_semaphore, #tpu.memory_space<semaphore_mem>>)
      } else {
      }
    }
    %scan3A_47 = arith.constant 64 : i32
    %dma_wait3A_48 = arith.constant 0 : i32
    %dma_wait3A_49 = tpu.memref_slice %arg7[%dma_wait3A_48] : memref<16384xf32, #tpu.memory_space<vmem>> -> memref<16384xf32, #tpu.memory_space<vmem>>
    %dma_wait3A_50 = arith.constant 0 : i32
    %dma_wait3A_51 = tpu.memref_slice %arg4[%dma_wait3A_50] : memref<67108864xf32, #tpu.memory_space<hbm>> -> memref<16384xf32, #tpu.memory_space<hbm>>
    %dma_wait3A_52 = arith.constant 0 : i32
    %dma_wait3A_53 = tpu.memref_slice %arg4[%dma_wait3A_52] : memref<67108864xf32, #tpu.memory_space<hbm>> -> memref<16384xf32, #tpu.memory_space<hbm>>
    %dma_wait3A_54 = arith.constant 0 : i32
    %dma_wait3A_55 = tpu.memref_slice %arg7[%dma_wait3A_54] : memref<16384xf32, #tpu.memory_space<vmem>> -> memref<16384xf32, #tpu.memory_space<vmem>>
    tpu.wait_dma2 semaphore(%arg12 : memref<!tpu.dma_semaphore, #tpu.memory_space<semaphore_mem>>) src(%dma_wait3A_55 : memref<16384xf32, #tpu.memory_space<vmem>>) dst(%dma_wait3A_53 : memref<16384xf32, #tpu.memory_space<hbm>>)
    %dma_wait3A_56 = arith.constant 0 : i32
    %dma_wait3A_57 = tpu.memref_slice %arg8[%dma_wait3A_56] : memref<16384xf32, #tpu.memory_space<vmem>> -> memref<16384xf32, #tpu.memory_space<vmem>>
    %dma_wait3A_58 = arith.constant 0 : i32
    %dma_wait3A_59 = tpu.memref_slice %arg4[%dma_wait3A_58] : memref<67108864xf32, #tpu.memory_space<hbm>> -> memref<16384xf32, #tpu.memory_space<hbm>>
    %dma_wait3A_60 = arith.constant 0 : i32
    %dma_wait3A_61 = tpu.memref_slice %arg4[%dma_wait3A_60] : memref<67108864xf32, #tpu.memory_space<hbm>> -> memref<16384xf32, #tpu.memory_space<hbm>>
    %dma_wait3A_62 = arith.constant 0 : i32
    %dma_wait3A_63 = tpu.memref_slice %arg8[%dma_wait3A_62] : memref<16384xf32, #tpu.memory_space<vmem>> -> memref<16384xf32, #tpu.memory_space<vmem>>
    tpu.wait_dma2 semaphore(%arg13 : memref<!tpu.dma_semaphore, #tpu.memory_space<semaphore_mem>>) src(%dma_wait3A_63 : memref<16384xf32, #tpu.memory_space<vmem>>) dst(%dma_wait3A_61 : memref<16384xf32, #tpu.memory_space<hbm>>)
    return
  }
}

</mosaic_0001>

<sc_bundles>
// kernel: kernel.3.cloned.1.call-start
scs
__scs_entry_jumppad:
0x0: {  	(pc) =	sbr.rel $0x88, $3  }
0x1: {  	(tag) =	ssettag $0x0;
	lr =	simm.s32 $0x1  }
0x2: {  	[smem:$0x3F9F] =	sst lr;
	_ =	strace $0xD0000000  }
0x3: {  	_ = 	snop  }
0x4: {  	_ = 	snop  }
0x5: {  	_ = 	snop  }
0x6: {  	_ = 	snop  }
0x7: {  	_ = 	snop  }
__scs_overlays_trampoline_lowered:
0x8: {  	[smem:$0x3FAE] =	sst s0  }
0x9: {  	[smem:$0x3FAF] =	sst s1  }
0xa: {  	[smem:$0x3FB0] =	sst s2  }
0xb: {  	[smem:$0x3FB1] =	sst s3  }
0xc: {  	[smem:$0x3FB2] =	sst s4  }
0xd: {  	[smem:$0x3FB3] =	sst s5  }
0xe: {  	[smem:$0x3FB4] =	sst s6  }
0xf: {  	[smem:$0x3FB5] =	sst s7  }
0x10: {  	[smem:$0x3FB6] =	sst s8  }
0x11: {  	[smem:$0x3FB7] =	sst s9;
	s0 =	simm.s32 @!p0 $0x0  }
0x12: {  	s1 =	sld [smem:$0x3F9D];
	s0 =	simm.s32 @p0 $0x1  }
0x13: {  	[smem:$0x3FB8] =	sst s0;
	s0 =	simm.s32 @!p1 $0x0  }
0x14: {  	s2 =	sld [smem:$0x3F9C];
	s0 =	simm.s32 @p1 $0x1  }
0x15: {  	[smem:$0x3FB9] =	sst s0;
	s0 =	simm.s32 @!p2 $0x0  }
0x16: {  	s3 =	sld [smem:$0x3FDB];
	s0 =	simm.s32 @p2 $0x1  }
0x17: {  	s4 =	simm.s32 $0x1BF5;
	[smem:$0x3FBB] =	sst s0  }
0x18: {  	s0 =	sld [smem:$0x3F9E];
	_ =	swait.ge [sflag:s4], $0x0  }
0x19: {  	s7 =	sld [smem:$0x3F9F]  }
0x1a: {  	s8 =	sadd.s32 $0xFFFFE003, lr  }
0x1b: {  	s9 =	sadd.s32 $0xFFFFFEF7, lr;
	s5 =	simm.s32 $0xFFFFFFFF;
	p2 =	slt.u32 s8, $0xFFFFF086  }
0x1c: {  	p1 =	slt.u32 s9, $0xF7A;
	s5 =	simm.s32 @!p2 $0x0  }
0x1d: {  	s5 =	simm.s32 @p1 $0x1;
	p0 =	seq.s32 s7, s2  }
0x1e: {  	s7 =	smul.u32 @!p0 $0xF7A, s2;
	p2 =	seq.s32 @!p0 s5, $0x0  }
0x1f: {  	s9 =	smul.u32 $0xF7A, s1;
	s8 =	simm.s32 @!p0 $0x1BF5;
	p2 =	por !p2, p0  }
0x20: {  	[sflag:s8] =	ssyncset.s32 @!p0 $0xFFFFF086;
	s6 =	sadd.s32 @!p0 s3, s7;
	s7 =	simm.s32 @!p0 $0x108  }
0x21: {  	s3 =	sadd.s32 s3, s9;
	s6 =	sadd.s32 @!p0 $0x88, s6;
	s7 =	simm.s32 @p2 $0x1082  }
0x22: {  	[simem:s7], [sflag:s8] =	dma.local @!p0 [hbm:s6], $0xF7A  }
0x23: {  	s9 =	sor.u32 $0xD0000000, s2;
	s6 =	simm.s32 $0x108;
	_ =	swait.ge @!p0 [sflag:s8], $0x0  }
0x24: {  	s3 =	sadd.s32 $0x88, s3;
	s6 =	simm.s32 @!p1 $0x1082;
	[sflag:s4] =	ssyncset.s32 $0xFFFFF086  }
0x25: {  	[simem:s6], [sflag:s4] =	dma.local [hbm:s3], $0xF7A  }
0x26: {  	[smem:$0x3F9F] =	sst s1;
	(tag) =	ssettag s2;
	_ =	strace s9  }
0x27: {  	s1 =	sld [smem:$0x3FAF]  }
0x28: {  	s2 =	sld [smem:$0x3FB0]  }
0x29: {  	s4 =	sld [smem:$0x3FB2]  }
0x2a: {  	p0 =	seq.s32 s5, $0x0;
	s5 =	sld [smem:$0x3FB3]  }
0x2b: {  	s6 =	sld [smem:$0x3FB4]  }
0x2c: {  	s7 =	sld [smem:$0x3FB5]  }
0x2d: {  	s3 =	simm.s32 $0x108;
	s8 =	sld [smem:$0x3FB6]  }
0x2e: {  	s3 =	simm.s32 @!p0 $0x1082;
	s9 =	sld [smem:$0x3FB7]  }
0x2f: {  	lr =	sadd.s32 s0, s3;
	s0 =	sld [smem:$0x3FAE]  }
0x30: {  	s3 =	sld [smem:$0x3FB1]  }
0x31: {  	[smem:$0x3FBA] =	sst s10  }
0x32: {  	s10 =	sld [smem:$0x3FB8];
	_ =	sdelay $0x3  }
0x33: {  	p0 =	seq.s32 s10, $0x1;
	s10 =	sld [smem:$0x3FBA];
	_ =	sdelay $0x3  }
0x34: {  	[smem:$0x3FBA] =	sst s10  }
0x35: {  	s10 =	sld [smem:$0x3FB9];
	_ =	sdelay $0x3  }
0x36: {  	p1 =	seq.s32 s10, $0x1;
	s10 =	sld [smem:$0x3FBA];
	_ =	sdelay $0x3  }
0x37: {  	[smem:$0x3FBA] =	sst s10  }
0x38: {  	s10 =	sld [smem:$0x3FBB]  }
0x39: {  	_ = 	snop;
	(pc) =	sbr.ind lr, $3  }
0x3a: {  	_ = 	snop  }
0x3b: {  	_ = 	snop  }
0x3c: {  	p2 =	seq.s32 s10, $0x1;
	s10 =	sld [smem:$0x3FBA]  }
0x3d: {  	_ =	shalt  }
0x3e: {  	_ =	shalt  }
0x3f: {  	_ =	shalt  }
0x40: {  	_ =	shalt  }
0x41: {  	_ =	shalt  }
0x42: {  	_ =	shalt  }
0x43: {  	_ =	shalt  }
0x44: {  	_ =	shalt  }
0x45: {  	_ =	shalt  }
0x46: {  	_ =	shalt  }
0x47: {  	_ =	shalt  }
0x48: {  	_ =	shalt  }
0x49: {  	_ =	shalt  }
0x4a: {  	_ =	shalt  }
0x4b: {  	_ =	shalt  }
0x4c: {  	_ =	shalt  }
0x4d: {  	_ =	shalt  }
0x4e: {  	_ =	shalt  }
0x4f: {  	_ =	shalt  }
0x50: {  	_ =	shalt  }
0x51: {  	_ =	shalt  }
0x52: {  	_ =	shalt  }
0x53: {  	_ =	shalt  }
0x54: {  	_ =	shalt  }
0x55: {  	_ =	shalt  }
0x56: {  	_ =	shalt  }
0x57: {  	_ =	shalt  }
0x58: {  	_ =	shalt  }
0x59: {  	_ =	shalt  }
0x5a: {  	_ =	shalt  }
0x5b: {  	_ =	shalt  }
0x5c: {  	_ =	shalt  }
0x5d: {  	_ =	shalt  }
0x5e: {  	_ =	shalt  }
0x5f: {  	_ =	shalt  }
0x60: {  	_ =	shalt  }
0x61: {  	_ =	shalt  }
0x62: {  	_ =	shalt  }
0x63: {  	_ =	shalt  }
0x64: {  	_ =	shalt  }
0x65: {  	_ =	shalt  }
0x66: {  	_ =	shalt  }
0x67: {  	_ =	shalt  }
0x68: {  	_ =	shalt  }
0x69: {  	_ =	shalt  }
0x6a: {  	_ =	shalt  }
0x6b: {  	_ =	shalt  }
0x6c: {  	_ =	shalt  }
0x6d: {  	_ =	shalt  }
0x6e: {  	_ =	shalt  }
0x6f: {  	_ =	shalt  }
0x70: {  	_ =	shalt  }
0x71: {  	_ =	shalt  }
0x72: {  	_ =	shalt  }
0x73: {  	_ =	shalt  }
0x74: {  	_ =	shalt  }
0x75: {  	_ =	shalt  }
0x76: {  	_ =	shalt  }
0x77: {  	_ =	shalt  }
0x78: {  	_ =	shalt  }
0x79: {  	_ =	shalt  }
0x7a: {  	_ =	shalt  }
0x7b: {  	_ =	shalt  }
0x7c: {  	_ =	shalt  }
0x7d: {  	_ =	shalt  }
0x7e: {  	_ =	shalt  }
0x7f: {  	_ =	shalt  }
0x80: {  	_ =	shalt  }
0x81: {  	_ =	shalt  }
0x82: {  	_ =	shalt  }
0x83: {  	_ =	shalt  }
0x84: {  	_ =	shalt  }
0x85: {  	_ =	shalt  }
0x86: {  	_ =	shalt  }
0x87: {  	_ =	shalt  }
.Lfunc_end0:
.L_simem_size_0:
called_computation.1_lowered:
.L_overlay_start_0:
0x88: {  	s2 =	sld [smem:$0x3FD9]  }
0x89: {  	s3 =	sld [smem:$0x3FFE];
	_ =	sdelay $0x1  }
0x8a: {  	s1 =	srdreg.scid  }
0x8b: {  	s0 =	sand.u32 $0x1, s1  }
0x8c: {  	s17 =	sshll.u32 s0, $0xA;
	s2 =	sadd.s32 s3, s2  }
0x8d: {  	s2 =	sadd.s32 s2, s17  }
0x8e: {  	[smem:$0x3FC6] =	sst s2  }
0x8f: {  	_ = 	snop  }
0x90: {  	s2 =	sld [smem:$0x3FC8]  }
0x91: {  	s18 =	sld [smem:$0x3FD0];
	(tm) =	ssettm $0x1  }
0x92: {  	s4 =	sld [smem:$0x3FFB];
	_ =	sdelay $0x3  }
0x93: {  	_ =	strace s4  }
0x94: {  	s4 =	sld [smem:$0x3FFC];
	_ =	sdelay $0x3  }
0x95: {  	_ =	strace s4  }
0x96: {  	s4 =	sld [smem:$0x3FFD];
	_ =	sdelay $0x3  }
0x97: {  	_ =	strace s4  }
0x98: {  	_ =	strace $0x8FFFFFFF  }
0x99: {  	s19 =	sld [smem:$0x3FDB];
	_ =	sdelay $0x1  }
0x9a: {  	s5 =	simm.s32 $_scs_section_size  }
0x9b: {  	s6 =	simm.s32 $_size__tile_overlayer_lowered;
	s7 =	simm.s32 $_tile_overlayer_lowered  }
0x9c: {  	s22 =	simm.s32 $0x1BFF;
	s21 =	sshll.u32 s7, $0x1;
	s4 =	sadd.s32 s5, s19  }
0x9d: {  	s8 =	simm.s32 $0x0;
	s20 =	sshll.u32 s6, $0x1;
	s6 =	sadd.s32 s21, s4  }
0x9e: {  	[timem:s8], [sflag:s22] =	dma.local [hbm:s6], s20  }
0x9f: {  	_ =	swait.ge [sflag:s22], s20  }
0xa0: {  	s5 =	ssub.s32 $0x0, s20;
	[sflag:s22] =	ssyncset.done $0x0  }
0xa1: {  	[sflag:s22] =	ssyncadd.s32 s5;
	_ =	sdelay $0x1  }
0xa2: {  	s23 =	simm.s32 $0x1B8B  }
0xa3: {  	_ =	swait.ge [sflag:s23], $0x1  }
0xa4: {  	[sflag:s23] =	ssyncset.done $0x0  }
0xa5: {  	s25 =	simm.s32 $0x1B8E;
	s24 =	sld [smem:$0x3FFE];
	[sflag:s23] =	ssyncadd.s32 $0xFFFFFFFF  }
0xa6: {  	s26 =	simm.s32 $execute0_lowered;
	[smem:$0x3FD2] =	sst s25  }
0xa7: {  	s6 =	sshll.u32 s26, $0x1;
	_ =	strace $0x80000049;
	[dreg:$0x1] =	wrdreg $0xFFFFFFFF  }
0xa8: {  	s28 =	simm.s32 $_size_execute0_lowered;
	s4 =	sadd.s32 s4, s6;
	[dreg:$0x0] =	wrdreg $0x0  }
0xa9: {  	s6 =	sshll.u32 s28, $0x1;
	[dreg:$0x2] =	wrdreg s4  }
0xaa: {  	[dreg:$0x3] =	wrdreg s6  }
0xab: {  	[dreg:$0x4] =	wrdreg $0xC0  }
0xac: {  	_ =	task [dreg:s8], $0x5FFFF  }
0xad: {  	[dreg:$0x1] =	wrdreg $0xFFFFFFFF  }
0xae: {  	[dreg:$0x0] =	wrdreg $0x60  }
0xaf: {  	[dreg:$0x2] =	wrdreg s18  }
0xb0: {  	[dreg:$0x3] =	wrdreg s2  }
0xb1: {  	[dreg:$0x4] =	wrdreg s24  }
0xb2: {  	[dreg:$0x5] =	wrdreg $0x9  }
0xb3: {  	_ =	task.clear_ibuf [dreg:s8], $0x6FFFF;
	_ =	strace $0x90000049  }
0xb4: {  	s29 =	simm.s32 $0x9;
	_ =	strace $0x8000004B  }
0xb5: {  	_ =	swait.ge [sflag:s29], $0x1  }
0xb6: {  	[sflag:s29] =	ssyncadd.s32 $0xFFFFFFFF  }
0xb7: {  	_ =	strace $0x9000004B  }
0xb8: {  	_ =	sfence  }
0xb9: {  	s30 =	sld [smem:$0x0];
	_ =	sdelay $0x2  }
0xba: {  	s31 =	sshll.u32 s1, $0xD;
	s1 =	sshrl.u32 s1, $0x2  }
0xbb: {  	s3 =	sand.u32 $0x4000, s31;
	s1 =	sadd.s32 s1, s30  }
0xbc: {  	s0 =	sor.u32 s3, s0;
	s1 =	sshll.u32 s1, $0x11  }
0xbd: {  	s0 =	sor.u32 s1, s0  }
0xbe: {  	s0 =	sadd.s32 $0x8F2B, s0  }
0xbf: {  	[sflag:s0] =	ssyncadd.remote.s32 $0x1  }
0xc0: {  	_ =	sfence.sel $0xFFFF  }
0xc1: {  	[dreg:$0x0] =	wrdreg $0xFFFFFFFF;
	(pc) =	sbr.abs _section_cstart, $3  }
0xc2: {  	[dreg:$0x1] =	wrdreg $0xFFFFFFFF  }
0xc3: {  	_ =	task.clear_ibuf [dreg:s8], $0x2FFFF;
	_ =	strace $0x9FFFFFFF  }
0xc4: {  	(tm) =	ssettm $0x7FFFFFFF  }
0xc5: {  	_ =	shalt  }
tec
execute0_lowered:
.L_overlay_start_1:
0x0: {  	(tag) =	ssettag $0x1  }
0x1: {  	s5 =	rddreg [dreg:$0x0]  }
0x2: {  	s6 =	rddreg [dreg:$0x1]  }
0x3: {  	s3 =	rddreg [dreg:$0x2]  }
0x4: {  	s0 =	rddreg [dreg:$0x3];
	s4 =	srdreg.scid;
	s2 =	simm.s32 $0x0  }
0x5: {  	s1 =	stileid.u32;
	s11 =	simm.s32 $0x10100;
	s12 =	simm.s32 $0x4080  }
0x6: {  	s13 =	simm.s32 $0x5;
	s14 =	simm.s32 $0x1;
	s15 =	simm.s32 $0x8100  }
0x7: {  	s16 =	simm.s32 $0x2;
	s17 =	simm.s32 $0xC100;
	s18 =	simm.s32 $0x3  }
0x8: {  	s19 =	simm.s32 $0x4;
	s20 =	simm.s32 $0x0;
	s4 =	sand.u32 $0x1, s4  }
0x9: {  	v0 =	vlaneseq.u32;
	[smem:$0x7FF] =	sst s2;
	s8 =	sshll.u32 s1, $0x1;
	s3 =	sadd.s32 $0x800, s3  }
.Ltmp0:
0xa: {  	v1 =	vadd.s32 $0x1, v0;
	s7 =	ssub.s32 $0x2, s4;
	s8 =	sor.u32 s4, s8;
	(pc) =	sbr.rel .LBB2_1-.Ltmp0, $4  }
0xb: {  	v2 =	vor.u32 $0x10, v0;
	v3 =	vadd.s32 $0x21, v0;
	v4 =	vor.u32 $0x20, v0;
	_ =	strace $0x8000004A;
	s9 =	sshrl.u32 s7, $0x1;
	s31 =	sshll.u32 s8, $0x12  }
0xc: {  	v5 =	vor.u32 $0x30, v0;
	v6 =	vadd.s32 $0x41, v0;
	v12 =	vmul.u32 $0x1000, v0;
	s4 =	sshll.u32 s8, $0x9;
	s8 =	sshll.u32 s8, $0x6;
	s5 =	sadd.s32 s5, s31  }
0xd: {  	v7 =	vor.u32 $0x40, v0;
	v8 =	vor.u32 $0x50, v0;
	v9 =	vadd.s32 $0x61, v0;
	s10 =	ssub.s32 s7, s9;
	s6 =	sadd.s32 s6, s8;
	s7 =	sadd.s32 $0x800, s5  }
0xe: {  	v10 =	vor.u32 $0x60, v0;
	v11 =	vor.u32 $0x70, v0;
	v12 =	vor.u32 $0xFFF, v12;
	s8 =	sadd.s32 $0x1000, s5;
	s9 =	sadd.s32 $0x1800, s5;
	s10 =	smax.u32 s10, $0x1  }
.LBB2_8:
0xf: {  	s20 =	sadd.s32 $0x1, s20  }
0x10: {  	_ =	swait.ge [sflag:s18], $0x4000;
	p0 =	sne.s32 s20, s10  }
.Ltmp1:
0x11: {  	[sflag:s18] =	ssyncset.done $0x0;
	(pc) =	sbr.rel @!p0 .LBB2_9-.Ltmp1, $4  }
0x12: {  	[sflag:s18] =	ssyncadd.s32 $0xFFFFC000  }
0x13: {  	_ =	swait.ge [sflag:s19], $0x4000  }
0x14: {  	[sflag:s19] =	ssyncset.done $0x0  }
0x15: {  	[sflag:s19] =	ssyncadd.s32 $0xFFFFC000  }
.LBB2_1:
0x16: {  	[tilespmem:s11], [sflag:$0x5] =	stream.linear.gather [hbm4b:s6+s2], $0x200, $0x38;
	[tilespmem:$0x10380] =	vst v63  }
0x17: {  	_ = 	snop  }
0x18: {  	[tilespmem:s2], [sflag:$0x1] =	stream.linear.gather [hbm4b:s5+s2], $0x4000, $0x38;
	[tilespmem:$0x10380] =	vst v63  }
0x19: {  	_ = 	snop  }
0x1a: {  	[tilespmem:s12], [sflag:$0x2] =	stream.linear.gather [hbm4b:s7+s2], $0x4000, $0x38;
	[tilespmem:$0x10380] =	vst v63  }
0x1b: {  	_ =	swait.ge [sflag:s13], $0x200  }
0x1c: {  	[sflag:s13] =	ssyncset.done $0x0  }
0x1d: {  	s21 =	simm.s32 $0x0;
	[sflag:s13] =	ssyncadd.s32 $0xFFFFFE00  }
.LBB2_2:
0x1e: {  	_ =	swait.ge [sflag:s14], $0x4000;
	s22 =	simm.s32 $0x70  }
0x1f: {  	p0 =	seq.s32 s21, $0x0;
	s23 =	simm.s32 $0x0;
	[sflag:s14] =	ssyncset.done $0x0;
	v13 =	vadd.s32 s22, v1  }
0x20: {  	s24 =	simm.s32 @!p0 $0x3;
	v14 =	vor.u32 s23, v9;
	[sflag:s14] =	ssyncadd.s32 $0xFFFFC000  }
0x21: {  	s25 =	simm.s32 $0x10;
	v15 =	vor.u32 s23, v1;
	_ =	swait.ge @!p0 [sflag:s24], $0x4000  }
0x22: {  	v16 =	vadd.s32 s25, v1;
	[sflag:s24] =	ssyncset.done @!p0 $0x0  }
0x23: {  	s30 =	simm.s32 $0x30;
	v17 =	vor.u32 s23, v3;
	[sflag:s24] =	ssyncadd.s32 @!p0 $0xFFFFC000  }
0x24: {  	v18 =	vor.u32 s22, v11;
	v19 =	vadd.s32 s30, v1;
	v13 =	vld.idx.msk [tilespmem:v13+s2+$0x0], $0xffff  }
0x25: {  	s31 =	simm.s32 $0x50;
	v20 =	vor.u32 s23, v6;
	v21 =	vor.u32 s23, v10;
	v14 =	vld.idx.msk [tilespmem:v14+s2+$0x0], $0xffff  }
0x26: {  	s26 =	simm.s32 $0xF0;
	v22 =	vor.u32 s23, v0;
	v23 =	vadd.s32 s31, v1;
	v15 =	vld.idx.msk [tilespmem:v15+s2+$0x0], $0xffff  }
0x27: {  	s28 =	simm.s32 $0x80;
	v26 =	vor.u32 s25, v2;
	v25 =	vadd.s32 s26, v1;
	v27 =	vld.idx.msk [tilespmem:v16+s2+$0x0], $0xffff  }
0x28: {  	v28 =	vor.u32 s23, v4;
	v30 =	vor.u32 s28, v9;
	v29 =	vld.idx.msk [tilespmem:v17+s2+$0x0], $0xffff  }
0x29: {  	s29 =	simm.s32 $0x90;
	v31 =	vor.u32 s30, v5;
	v32 =	vor.u32 s28, v1;
	v33 =	vld.idx.msk [tilespmem:v19+s2+$0x0], $0xffff;
	[tilespmem:v18+s15+$0x0] =	vst.idx.msk $0xffff, v13  }
0x2a: {  	v34 =	vor.u32 s23, v7;
	v35 =	vadd.s32 s29, v1;
	v36 =	vld.idx.msk [tilespmem:v20+s2+$0x0], $0xffff;
	[tilespmem:v21+s15+$0x0] =	vst.idx.msk $0xffff, v14  }
0x2b: {  	v24 =	vld.idx.msk [tilespmem:v23+s2+$0x0], $0xffff;
	v16 =	vor.u32 s28, v6;
	v13 =	vor.u32 s31, v8;
	[tilespmem:v22+s15+$0x0] =	vst.idx.msk $0xffff, v15;
	v22 =	vor.u32 s28, v3;
	s31 =	simm.s32 $0xB0  }
0x2c: {  	v25 =	vld.idx.msk [tilespmem:v25+s2+$0x0], $0xffff;
	v20 =	vor.u32 s29, v2;
	[tilespmem:v26+s15+$0x0] =	vst.idx.msk $0xffff, v27;
	v23 =	vadd.s32 s31, v1  }
0x2d: {  	s30 =	simm.s32 $0xD0;
	v17 =	vor.u32 s28, v0;
	v14 =	vor.u32 s26, v11;
	v15 =	vor.u32 s28, v4;
	v26 =	vld.idx.msk [tilespmem:v30+s2+$0x0], $0xffff;
	[tilespmem:v28+s15+$0x0] =	vst.idx.msk $0xffff, v29  }
0x2e: {  	s22 =	sshll.u32 s21, $0xC;
	s23 =	sshll.u32 s21, $0x3;
	v18 =	vadd.s32 s30, v1;
	v27 =	vld.idx.msk [tilespmem:v32+s2+$0x0], $0xffff;
	[tilespmem:v31+s15+$0x0] =	vst.idx.msk $0xffff, v33;
	v21 =	vor.u32 s28, v7;
	v29 =	vor.u32 s28, v10  }
0x2f: {  	s25 =	simm.s32 $0x8;
	s24 =	sadd.s32 s4, s23;
	v30 =	vor.u32 s30, v8;
	v28 =	vld.idx.msk [tilespmem:v35+s2+$0x0], $0xffff;
	s26 =	simm.s32 $0x170;
	[tilespmem:v34+s15+$0x0] =	vst.idx.msk $0xffff, v36;
	v19 =	vor.u32 s31, v5  }
.LBB2_3:
0x30: {  	s28 =	sadd.s32 $0xFFFFFF90, s26;
	s29 =	sadd.s32 $0xFFFFFFA0, s26;
	v31 =	vadd.s32 s26, v1;
	v32 =	vor.u32 s26, v11;
	s25 =	sadd.s32 $0x8, s25;
	v33 =	vld.idx.msk [tilespmem:v22+s2+$0x0], $0xffff;
	[tilespmem:v13+s15+$0x0] =	vst.idx.msk $0xffff, v24;
	v13 =	vmov v30  }
0x31: {  	s30 =	sadd.s32 $0xFFFFFFC0, s26;
	s31 =	sadd.s32 $0xFFFFFFE0, s26;
	v34 =	vor.u32 s28, v1;
	v35 =	vadd.s32 s29, v1;
	v36 =	vor.u32 s28, v9;
	p1 =	slt.u32 s25, $0x3F8;
	v37 =	vld.idx.msk [tilespmem:v23+s2+$0x0], $0xffff  }
0x32: {  	v22 =	vor.u32 s28, v3;
	v23 =	vadd.s32 s30, v1;
	v38 =	vld.idx.msk [tilespmem:v16+s2+$0x0], $0xffff;
	v16 =	vor.u32 s28, v6;
	[tilespmem:v14+s15+$0x0] =	vst.idx.msk $0xffff, v25;
	v14 =	vmovc v32  }
0x33: {  	v25 =	vor.u32 s28, v0;
	v32 =	vor.u32 s28, v4;
	v24 =	vld.idx.msk [tilespmem:v18+s2+$0x0], $0xffff;
	v18 =	vadd.s32 s31, v1;
	[tilespmem:v29+s15+$0x0] =	vst.idx.msk $0xffff, v26  }
.Ltmp2:
0x34: {  	v39 =	vor.u32 s30, v5;
	v40 =	vor.u32 s28, v7;
	v26 =	vor.u32 s29, v2;
	[tilespmem:v17+s15+$0x0] =	vst.idx.msk $0xffff, v27;
	v17 =	vmovc v25;
	(pc) =	sbr.rel @p1 .LBB2_3-.Ltmp2, $4  }
0x35: {  	v30 =	vor.u32 s31, v8;
	v25 =	vld.idx.msk [tilespmem:v31+s2+$0x0], $0xffff;
	[tilespmem:v20+s15+$0x0] =	vst.idx.msk $0xffff, v28;
	v20 =	vmov v26  }
0x36: {  	v26 =	vld.idx.msk [tilespmem:v36+s2+$0x0], $0xffff;
	[tilespmem:v15+s15+$0x0] =	vst.idx.msk $0xffff, v33;
	v15 =	vmov v32  }
0x37: {  	v29 =	vor.u32 s28, v10;
	v27 =	vld.idx.msk [tilespmem:v34+s2+$0x0], $0xffff;
	[tilespmem:v19+s15+$0x0] =	vst.idx.msk $0xffff, v37;
	v19 =	vmov v39  }
0x38: {  	s26 =	sadd.s32 $0x80, s26;
	v28 =	vld.idx.msk [tilespmem:v35+s2+$0x0], $0xffff;
	[tilespmem:v21+s15+$0x0] =	vst.idx.msk $0xffff, v38;
	v21 =	vmov v40  }
0x39: {  	_ =	sdelay $0x3  }
0x3a: {  	v22 =	vld.idx.msk [tilespmem:v22+s2+$0x0], $0xffff;
	[tilespmem:v13+s15+$0x0] =	vst.idx.msk $0xffff, v24  }
0x3b: {  	v13 =	vld.idx.msk [tilespmem:v23+s2+$0x0], $0xffff;
	[tilespmem:v14+s15+$0x0] =	vst.idx.msk $0xffff, v25  }
0x3c: {  	v14 =	vld.idx.msk [tilespmem:v16+s2+$0x0], $0xffff;
	[tilespmem:v29+s15+$0x0] =	vst.idx.msk $0xffff, v26  }
0x3d: {  	v16 =	vld.idx.msk [tilespmem:v18+s2+$0x0], $0xffff;
	[tilespmem:v17+s15+$0x0] =	vst.idx.msk $0xffff, v27  }
0x3e: {  	v17 =	vadd.s32 s23, v0;
	[tilespmem:v20+s15+$0x0] =	vst.idx.msk $0xffff, v28  }
0x3f: {  	[tilespmem:v15+s15+$0x0] =	vst.idx.msk $0xffff, v22  }
0x40: {  	[tilespmem:v19+s15+$0x0] =	vst.idx.msk $0xffff, v13  }
0x41: {  	[tilespmem:v21+s15+$0x0] =	vst.idx.msk $0xffff, v14  }
0x42: {  	[tilespmem:v30+s15+$0x0] =	vst.idx.msk $0xffff, v16  }
0x43: {  	v13 =	vld.idx.msk [tilespmem:v17+s11+$0x0], $0xffff;
	_ =	sdelay $0x3  }
0x44: {  	s24 =	sshll.u32 s24, $0x9  }
0x45: {  	p1 =	seq.s32 s21, $0x3F;
	s24 =	sadd.s32 s3, s24;
	[tilespmem:v12+s15+$0x0] =	vst.idx.msk $0xf, v13  }
0x46: {  	[hbm4b:s24+s2] =	stream.linear.scatter [tilespmem:s15], [sflag:$0x3], $0x4000, $0x38;
	[tilespmem:$0x10380] =	vst v63  }
0x47: {  	s25 =	simm.s32 @!p1 $0x0;
	s24 =	sadd.s32 @!p1 s22, s8  }
0x48: {  	[tilespmem:s25], [sflag:$0x1] =	stream.linear.gather @!p1 [hbm4b:s24+s25], $0x4000, $0x38;
	[tilespmem:$0x10380] =	vst v63  }
0x49: {  	s29 =	simm.s32 $0x70;
	_ =	swait.ge [sflag:s16], $0x4000  }
0x4a: {  	v13 =	vadd.s32 s29, v1;
	s25 =	simm.s32 $0x0;
	[sflag:s16] =	ssyncset.done $0x0  }
0x4b: {  	s26 =	simm.s32 @!p0 $0x4;
	v14 =	vor.u32 s25, v9;
	[sflag:s16] =	ssyncadd.s32 $0xFFFFC000  }
0x4c: {  	s28 =	simm.s32 $0x10;
	v15 =	vor.u32 s25, v1;
	_ =	swait.ge @!p0 [sflag:s26], $0x4000  }
0x4d: {  	v16 =	vadd.s32 s28, v1;
	[sflag:s26] =	ssyncset.done @!p0 $0x0  }
0x4e: {  	s30 =	simm.s32 $0x30;
	v17 =	vor.u32 s25, v3;
	[sflag:s26] =	ssyncadd.s32 @!p0 $0xFFFFC000  }
0x4f: {  	v18 =	vor.u32 s29, v11;
	v19 =	vadd.s32 s30, v1;
	v13 =	vld.idx.msk [tilespmem:v13+s12+$0x0], $0xffff  }
0x50: {  	s31 =	simm.s32 $0x50;
	v20 =	vor.u32 s25, v6;
	v21 =	vor.u32 s25, v10;
	v14 =	vld.idx.msk [tilespmem:v14+s12+$0x0], $0xffff  }
0x51: {  	v23 =	vadd.s32 s31, v1;
	s29 =	simm.s32 $0xF0;
	v22 =	vor.u32 s25, v0;
	v15 =	vld.idx.msk [tilespmem:v15+s12+$0x0], $0xffff  }
0x52: {  	v26 =	vor.u32 s28, v2;
	s28 =	simm.s32 $0x80;
	v25 =	vadd.s32 s29, v1;
	v27 =	vld.idx.msk [tilespmem:v16+s12+$0x0], $0xffff  }
0x53: {  	v30 =	vor.u32 s28, v9;
	v28 =	vor.u32 s25, v4;
	v29 =	vld.idx.msk [tilespmem:v17+s12+$0x0], $0xffff  }
0x54: {  	v31 =	vor.u32 s30, v5;
	v32 =	vor.u32 s28, v1;
	s26 =	simm.s32 $0x90;
	v33 =	vld.idx.msk [tilespmem:v19+s12+$0x0], $0xffff;
	[tilespmem:v18+s17+$0x0] =	vst.idx.msk $0xffff, v13  }
0x55: {  	v34 =	vor.u32 s25, v7;
	v35 =	vadd.s32 s26, v1;
	v36 =	vld.idx.msk [tilespmem:v20+s12+$0x0], $0xffff;
	[tilespmem:v21+s17+$0x0] =	vst.idx.msk $0xffff, v14  }
0x56: {  	v24 =	vld.idx.msk [tilespmem:v23+s12+$0x0], $0xffff;
	v16 =	vor.u32 s28, v6;
	v13 =	vor.u32 s31, v8;
	[tilespmem:v22+s17+$0x0] =	vst.idx.msk $0xffff, v15;
	v22 =	vor.u32 s28, v3;
	s31 =	simm.s32 $0xB0  }
0x57: {  	v25 =	vld.idx.msk [tilespmem:v25+s12+$0x0], $0xffff;
	v20 =	vor.u32 s26, v2;
	[tilespmem:v26+s17+$0x0] =	vst.idx.msk $0xffff, v27;
	v23 =	vadd.s32 s31, v1  }
0x58: {  	s30 =	simm.s32 $0xD0;
	v17 =	vor.u32 s28, v0;
	v14 =	vor.u32 s29, v11;
	v15 =	vor.u32 s28, v4;
	v26 =	vld.idx.msk [tilespmem:v30+s12+$0x0], $0xffff;
	[tilespmem:v28+s17+$0x0] =	vst.idx.msk $0xffff, v29  }
0x59: {  	s23 =	sor.u32 $0x4, s23;
	v18 =	vadd.s32 s30, v1;
	v27 =	vld.idx.msk [tilespmem:v32+s12+$0x0], $0xffff;
	[tilespmem:v31+s17+$0x0] =	vst.idx.msk $0xffff, v33;
	v21 =	vor.u32 s28, v7;
	v29 =	vor.u32 s28, v10  }
0x5a: {  	s24 =	sadd.s32 s4, s23;
	s25 =	simm.s32 $0x8;
	s26 =	simm.s32 $0x170;
	v30 =	vor.u32 s30, v8;
	v28 =	vld.idx.msk [tilespmem:v35+s12+$0x0], $0xffff;
	[tilespmem:v34+s17+$0x0] =	vst.idx.msk $0xffff, v36;
	v19 =	vor.u32 s31, v5  }
.LBB2_5:
0x5b: {  	s28 =	sadd.s32 $0xFFFFFF90, s26;
	s29 =	sadd.s32 $0xFFFFFFA0, s26;
	v31 =	vadd.s32 s26, v1;
	v32 =	vor.u32 s26, v11;
	s25 =	sadd.s32 $0x8, s25;
	v33 =	vld.idx.msk [tilespmem:v22+s12+$0x0], $0xffff;
	[tilespmem:v13+s17+$0x0] =	vst.idx.msk $0xffff, v24;
	v13 =	vmov v30  }
0x5c: {  	s30 =	sadd.s32 $0xFFFFFFC0, s26;
	s31 =	sadd.s32 $0xFFFFFFE0, s26;
	v34 =	vor.u32 s28, v1;
	v35 =	vadd.s32 s29, v1;
	v36 =	vor.u32 s28, v9;
	p0 =	slt.u32 s25, $0x3F8;
	v37 =	vld.idx.msk [tilespmem:v23+s12+$0x0], $0xffff  }
0x5d: {  	v22 =	vor.u32 s28, v3;
	v23 =	vadd.s32 s30, v1;
	v38 =	vld.idx.msk [tilespmem:v16+s12+$0x0], $0xffff;
	v16 =	vor.u32 s28, v6;
	[tilespmem:v14+s17+$0x0] =	vst.idx.msk $0xffff, v25;
	v14 =	vmovc v32  }
0x5e: {  	v25 =	vor.u32 s28, v0;
	v32 =	vor.u32 s28, v4;
	v24 =	vld.idx.msk [tilespmem:v18+s12+$0x0], $0xffff;
	v18 =	vadd.s32 s31, v1;
	[tilespmem:v29+s17+$0x0] =	vst.idx.msk $0xffff, v26  }
.Ltmp3:
0x5f: {  	v39 =	vor.u32 s30, v5;
	v40 =	vor.u32 s28, v7;
	v26 =	vor.u32 s29, v2;
	[tilespmem:v17+s17+$0x0] =	vst.idx.msk $0xffff, v27;
	v17 =	vmovc v25;
	(pc) =	sbr.rel @p0 .LBB2_5-.Ltmp3, $4  }
0x60: {  	v30 =	vor.u32 s31, v8;
	v25 =	vld.idx.msk [tilespmem:v31+s12+$0x0], $0xffff;
	[tilespmem:v20+s17+$0x0] =	vst.idx.msk $0xffff, v28;
	v20 =	vmov v26  }
0x61: {  	v26 =	vld.idx.msk [tilespmem:v36+s12+$0x0], $0xffff;
	[tilespmem:v15+s17+$0x0] =	vst.idx.msk $0xffff, v33;
	v15 =	vmov v32  }
0x62: {  	v29 =	vor.u32 s28, v10;
	v27 =	vld.idx.msk [tilespmem:v34+s12+$0x0], $0xffff;
	[tilespmem:v19+s17+$0x0] =	vst.idx.msk $0xffff, v37;
	v19 =	vmov v39  }
0x63: {  	s26 =	sadd.s32 $0x80, s26;
	v28 =	vld.idx.msk [tilespmem:v35+s12+$0x0], $0xffff;
	[tilespmem:v21+s17+$0x0] =	vst.idx.msk $0xffff, v38;
	v21 =	vmov v40  }
0x64: {  	_ =	sdelay $0x3  }
0x65: {  	v22 =	vld.idx.msk [tilespmem:v22+s12+$0x0], $0xffff;
	[tilespmem:v13+s17+$0x0] =	vst.idx.msk $0xffff, v24  }
0x66: {  	v13 =	vld.idx.msk [tilespmem:v23+s12+$0x0], $0xffff;
	[tilespmem:v14+s17+$0x0] =	vst.idx.msk $0xffff, v25  }
0x67: {  	v62 =	vld.idx.msk [tilespmem:v18+s12+$0x0], $0xffff;
	[tilespmem:v29+s17+$0x0] =	vst.idx.msk $0xffff, v26  }
0x68: {  	v14 =	vld.idx.msk [tilespmem:v16+s12+$0x0], $0xffff;
	[tilespmem:v17+s17+$0x0] =	vst.idx.msk $0xffff, v27  }
0x69: {  	v63 =	vadd.s32 s23, v0;
	[tilespmem:v20+s17+$0x0] =	vst.idx.msk $0xffff, v28  }
0x6a: {  	[tilespmem:v15+s17+$0x0] =	vst.idx.msk $0xffff, v22  }
0x6b: {  	[tilespmem:v19+s17+$0x0] =	vst.idx.msk $0xffff, v13  }
0x6c: {  	[tilespmem:v30+s17+$0x0] =	vst.idx.msk $0xffff, v62  }
0x6d: {  	[tilespmem:v21+s17+$0x0] =	vst.idx.msk $0xffff, v14  }
0x6e: {  	v13 =	vld.idx.msk [tilespmem:v63+s11+$0x0], $0xffff;
	_ =	sdelay $0x1  }
.Ltmp4:
0x6f: {  	_ = 	snop;
	(pc) =	sbr.rel @p1 .LBB2_8-.Ltmp4, $4  }
0x70: {  	s31 =	sshll.u32 s24, $0x9  }
0x71: {  	s23 =	sand.u32 $0x1FFFF800, s31  }
0x72: {  	s23 =	sadd.s32 s3, s23;
	[tilespmem:v12+s17+$0x0] =	vst.idx.msk $0xf, v13  }
0x73: {  	[hbm4b:s23+s2] =	stream.linear.scatter [tilespmem:s17], [sflag:$0x4], $0x4000, $0x38;
	[tilespmem:$0x10380] =	vst v63  }
.Ltmp5:
0x74: {  	(pc) =	sbr.rel .LBB2_2-.Ltmp5, $3  }
0x75: {  	_ =	sdelay $0x1  }
0x76: {  	s22 =	sadd.s32 s22, s9;
	s21 =	sadd.s32 $0x1, s21  }
0x77: {  	[tilespmem:s12], [sflag:$0x2] =	stream.linear.gather [hbm4b:s22+s2], $0x4000, $0x38;
	[tilespmem:$0x10380] =	vst v63  }
.LBB2_9:
0x78: {  	_ =	sfence.sel $0x180000  }
0x79: {  	[bflag:$0x0] =	sbarrier.arrive $0xFFFF  }
0x7a: {  	p0 =	sne.s32 s1, $0x0;
	_ =	strace $0x9000004A  }
0x7b: {  	s0 =	sadd.s32 @!p0 $0x100000, s0;
	[bflag:$0x2] =	sbarrier.arrive $0xFFFF  }
0x7c: {  	[sflag:s0] =	ssyncadd.tile.s32 @!p0 $0x1;
	_ =	shalt  }
.Lfunc_end2:
_tile_overlayer_lowered:
.L_overlay_start_2:
0x7d: {  	(tag) =	ssettag $0x2  }
0x7e: {  	s0 =	rddreg [dreg:$0x0];
	s2 =	stileid.u32  }
0x7f: {  	s1 =	rddreg [dreg:$0x1];
	p0 =	sne.s32 s2, $0x0  }
0x80: {  	s3 =	rddreg [dreg:$0x2];
	[bflag:$0x3] =	sbarrier.arrive $0xFFFF;
	s2 =	simm.s32 @!p0 $0x1C06  }
0x81: {  	[timem:s3], [sflag:s2] =	dma.local @!p0 [hbm:s0], s1  }
0x82: {  	s0 =	simm.s32 @!p0 $0x6  }
0x83: {  	_ =	swait.ge @!p0 [sflag:s0], s1  }
0x84: {  	s1 =	ssub.s32 @!p0 $0x0, s1;
	[sflag:s0] =	ssyncset.done @!p0 $0x0  }
0x85: {  	[sflag:s0] =	ssyncadd.s32 @!p0 s1  }
0x86: {  	[bflag:$0x3] =	sbarrier.arrive $0xFFFF  }
0x87: {  	_ =	shalt  }

// kernel: sparse-core-data-format-call.cloned.1.call-start
scs
called_computation_lowered:
.L_overlay_start_0:
0x0: {  	s2 =	sld [smem:$0x3FD9]  }
0x1: {  	s3 =	sld [smem:$0x3FFE];
	_ =	sdelay $0x1  }
0x2: {  	s1 =	srdreg.scid  }
0x3: {  	s0 =	sand.u32 $0x1, s1  }
0x4: {  	s19 =	sshll.u32 s0, $0xA;
	s2 =	sadd.s32 s3, s2  }
0x5: {  	s2 =	sadd.s32 s2, s19  }
0x6: {  	[smem:$0x3FC6] =	sst s2  }
0x7: {  	_ = 	snop  }
0x8: {  	s2 =	sld [smem:$0x3FC9]  }
0x9: {  	s20 =	sld [smem:$0x3FD0];
	(tm) =	ssettm $0x1  }
0xa: {  	s4 =	sld [smem:$0x3FFB];
	_ =	sdelay $0x3  }
0xb: {  	_ =	strace s4  }
0xc: {  	s4 =	sld [smem:$0x3FFC];
	_ =	sdelay $0x3  }
0xd: {  	_ =	strace s4  }
0xe: {  	s4 =	sld [smem:$0x3FFD];
	_ =	sdelay $0x3  }
0xf: {  	_ =	strace s4  }
0x10: {  	_ =	strace $0x8FFFFFFF  }
0x11: {  	s21 =	sld [smem:$0x3FDB];
	_ =	sdelay $0x1  }
0x12: {  	s5 =	simm.s32 $_scs_section_size  }
0x13: {  	s6 =	simm.s32 $_size__tile_overlayer_lowered;
	s7 =	simm.s32 $_tile_overlayer_lowered  }
0x14: {  	s24 =	simm.s32 $0x1BFF;
	s23 =	sshll.u32 s7, $0x1;
	s4 =	sadd.s32 s5, s21  }
0x15: {  	s8 =	simm.s32 $0x0;
	s22 =	sshll.u32 s6, $0x1;
	s6 =	sadd.s32 s23, s4  }
0x16: {  	[timem:s8], [sflag:s24] =	dma.local [hbm:s6], s22  }
0x17: {  	_ =	swait.ge [sflag:s24], s22  }
0x18: {  	s5 =	ssub.s32 $0x0, s22;
	[sflag:s24] =	ssyncset.done $0x0  }
0x19: {  	[sflag:s24] =	ssyncadd.s32 s5;
	_ =	sdelay $0x1  }
0x1a: {  	s25 =	simm.s32 $0x1B8B  }
0x1b: {  	_ =	swait.ge [sflag:s25], $0x1  }
0x1c: {  	[sflag:s25] =	ssyncset.done $0x0  }
0x1d: {  	s26 =	simm.s32 $0x1B8E;
	[sflag:s25] =	ssyncadd.s32 $0xFFFFFFFF  }
0x1e: {  	s27 =	simm.s32 $execute0_lowered;
	[smem:$0x3FD2] =	sst s26  }
0x1f: {  	s5 =	sshll.u32 s27, $0x1;
	_ =	strace $0x80000046;
	[dreg:$0x1] =	wrdreg $0xFFFFFFFF  }
0x20: {  	s28 =	simm.s32 $_size_execute0_lowered;
	s4 =	sadd.s32 s4, s5;
	[dreg:$0x0] =	wrdreg $0x0  }
0x21: {  	s5 =	sshll.u32 s28, $0x1;
	[dreg:$0x2] =	wrdreg s4  }
0x22: {  	[dreg:$0x3] =	wrdreg s5  }
0x23: {  	[dreg:$0x4] =	wrdreg $0xC0  }
0x24: {  	_ =	task [dreg:s8], $0x5FFFF  }
0x25: {  	[dreg:$0x1] =	wrdreg $0xFFFFFFFF  }
0x26: {  	[dreg:$0x0] =	wrdreg $0x60  }
0x27: {  	[dreg:$0x2] =	wrdreg s2  }
0x28: {  	[dreg:$0x3] =	wrdreg s20  }
0x29: {  	[dreg:$0x4] =	wrdreg $0x9  }
0x2a: {  	_ =	task.clear_ibuf [dreg:s8], $0x5FFFF;
	_ =	strace $0x90000046  }
0x2b: {  	s29 =	simm.s32 $0x9;
	_ =	strace $0x80000048  }
0x2c: {  	_ =	swait.ge [sflag:s29], $0x1  }
0x2d: {  	[sflag:s29] =	ssyncadd.s32 $0xFFFFFFFF  }
0x2e: {  	_ =	strace $0x90000048  }
0x2f: {  	_ =	sfence  }
0x30: {  	s30 =	sld [smem:$0x0];
	_ =	sdelay $0x2  }
0x31: {  	s31 =	sshll.u32 s1, $0xD;
	s1 =	sshrl.u32 s1, $0x2  }
0x32: {  	s3 =	sand.u32 $0x4000, s31;
	s1 =	sadd.s32 s1, s30  }
0x33: {  	s0 =	sor.u32 s3, s0;
	s1 =	sshll.u32 s1, $0x11  }
0x34: {  	s0 =	sor.u32 s1, s0  }
0x35: {  	s0 =	sadd.s32 $0x8F2B, s0  }
0x36: {  	[sflag:s0] =	ssyncadd.remote.s32 $0x1  }
0x37: {  	_ =	sfence.sel $0xFFFF  }
0x38: {  	[dreg:$0x0] =	wrdreg $0xFFFFFFFF;
	(pc) =	sbr.abs _section_cstart, $3  }
0x39: {  	[dreg:$0x1] =	wrdreg $0xFFFFFFFF  }
0x3a: {  	_ =	task.clear_ibuf [dreg:s8], $0x2FFFF;
	_ =	strace $0x9FFFFFFF  }
0x3b: {  	(tm) =	ssettm $0x7FFFFFFF  }
tec
execute0_lowered:
.L_overlay_start_1:
0x0: {  	(tag) =	ssettag $0x1  }
0x1: {  	s2 =	rddreg [dreg:$0x0]  }
0x2: {  	s3 =	rddreg [dreg:$0x1]  }
0x3: {  	s0 =	rddreg [dreg:$0x2];
	_ =	strace $0x80000047  }
0x4: {  	s4 =	srdreg.scid;
	s1 =	stileid.u32;
	s6 =	simm.s32 $0x2  }
.Ltmp0:
0x5: {  	s11 =	simm.s32 $0x0;
	p0 =	por $0x0, $0x0;
	(pc) =	sbr.rel .LBB1_1-.Ltmp0, $4  }
0x6: {  	s7 =	simm.s32 $0x1000;
	s12 =	simm.s32 $0x0;
	s5 =	sshll.u32 s4, $0x4  }
0x7: {  	s9 =	simm.s32 $0x0;
	s4 =	simm.s32 $0x1;
	s5 =	sand.u32 $0x10, s5  }
0x8: {  	s8 =	simm.s32 $0x0;
	[sflag:s4] =	ssyncpa.u1 $0x0;
	s5 =	sor.u32 s1, s5  }
0x9: {  	[sflag:s6] =	ssyncpa.u1 $0x0;
	s6 =	simm.s32 $0x800;
	s10 =	smov.u32 s5  }
.LBB1_7:
0xa: {  	s13 =	sadd.s32 $0x10, s9  }
0xb: {  	s11 =	sadd.s32 $0x20, s10;
	s15 =	smov.u32 s10;
	p2 =	sgt.s32 s13, $0x1F  }
0xc: {  	p1 =	slt.u32 s8, $0x2;
	s15 =	smov.u32 @p2 s11  }
0xd: {  	s8 =	sadd.s32 $0x1, s8;
	s13 =	simm.s32 @p2 $0x0;
	p2 =	sgt.s32 s15, $0x7FF  }
0xe: {  	s15 =	smov.u32 @p2 s5;
	p2 =	sne.s32 s8, $0x82  }
.Ltmp1:
0xf: {  	_ = 	snop;
	(pc) =	sbr.rel @!p2 .LBB1_8-.Ltmp1, $4  }
0x10: {  	s14 =	simm.s32 @!p1 $0x2  }
0x11: {  	s12 =	smov.u32 s10;
	_ =	swait.ge @!p1 [sflag:s14], $0x4000  }
0x12: {  	p0 =	por !p0, !p0;
	s11 =	smov.u32 s9;
	[sflag:s14] =	ssyncset.done @!p1 $0x0  }
0x13: {  	s9 =	smov.u32 s13;
	[sflag:s14] =	ssyncadd.s32 @!p1 $0xFFFFC000;
	s10 =	smov.u32 s15  }
.LBB1_1:
0x14: {  	p1 =	sgt.u32 s8, $0x7F  }
0x15: {  	s13 =	sxor.u32 @!p1 $0xFFFFFFFF, s8;
	s14 =	sshll.u32 @!p1 s10, $0xC  }
0x16: {  	s15 =	sshll.u32 @!p1 s9, $0x7;
	s13 =	sshll.u32 @!p1 s13, $0xE;
	s14 =	sadd.s32 @!p1 s2, s14  }
0x17: {  	s13 =	sand.u32 @!p1 $0x4000, s13;
	s14 =	sadd.s32 @!p1 s15, s14;
	s15 =	simm.s32 @!p1 $0x0  }
0x18: {  	[tilespmem:s13], [sflag:$0x1] =	stream.linear.gather @!p1 [hbm4b:s14+s15], $0x4000, $0x38;
	[tilespmem:$0x10000] =	vst v63  }
0x19: {  	p1 =	seq.s32 s8, $0x0  }
0x1a: {  	p2 =	seq.s32 @!p1 s8, $0x81  }
0x1b: {  	p1 =	por p1, p2  }
.Ltmp2:
0x1c: {  	_ = 	snop;
	(pc) =	sbr.rel @p1 .LBB1_7-.Ltmp2, $1  }
0x1d: {  	_ =	sdelay $0x3  }
0x1e: {  	s13 =	simm.s32 $0x1;
	_ =	swait.ge [sflag:s4], $0x4000;
	s16 =	sshll.u32 s8, $0xE  }
0x1f: {  	s13 =	simm.s32 @!p0 $0x0;
	[sflag:s4] =	ssyncset.done $0x0;
	s31 =	sand.u32 $0x4000, s16  }
0x20: {  	s16 =	simm.s32 $0x0;
	s14 =	sshll.u32 s13, $0xE;
	[sflag:s4] =	ssyncadd.s32 $0xFFFFC000  }
0x21: {  	s13 =	sor.u32 $0x8040, s14;
	s15 =	sor.u32 $0x40, s14;
	s14 =	sor.u32 $0x8000, s31  }
.LBB1_3:
0x22: {  	v0 =	vmov s15;
	_ =	sdelay $0x3  }
0x23: {  	s18 =	simm.s32 $0x0  }
0x24: {  	v6 =	vld.idx.msk [tilespmem:v0+s18+$0x30 ss:$0x1], $0xffff  }
0x25: {  	v7 =	vld.idx.msk [tilespmem:v0+s18+$0xFFFFFFC0 ss:$0x1], $0xffff  }
0x26: {  	v5 =	vld.idx.msk [tilespmem:v0+s18+$0xFFFFFFD0 ss:$0x1], $0xffff  }
0x27: {  	v4 =	vld.idx.msk [tilespmem:v0+s18+$0xFFFFFFE0 ss:$0x1], $0xffff  }
0x28: {  	v3 =	vld.idx.msk [tilespmem:v0+s18+$0xFFFFFFF0 ss:$0x1], $0xffff  }
0x29: {  	v1 =	vld.idx.msk [tilespmem:v0+s18+$0x0 ss:$0x1], $0xffff  }
0x2a: {  	v2 =	vld.idx.msk [tilespmem:v0+s18+$0x10 ss:$0x1], $0xffff;
	[tilespmem:s13+$0x30] =	vst v6  }
0x2b: {  	s17 =	simm.s32 $0x80;
	s19 =	simm.s32 $0x400;
	[tilespmem:s13+$0xFFFFFFC0] =	vst v7;
	v6 =	vld.idx.msk [tilespmem:v0+s18+$0x20 ss:$0x1], $0xffff;
	s18 =	smov.u32 s13  }
.LBB1_4:
0x2c: {  	p1 =	sne.s32 s19, $0xE00;
	v7 =	vld.idx.msk [tilespmem:v0+s17+$0x30 ss:$0x1], $0xffff;
	[tilespmem:s18+$0xFFFFFFD0] =	vst v5  }
0x2d: {  	v8 =	vld.idx.msk [tilespmem:v0+s17+$0xFFFFFFC0 ss:$0x1], $0xffff;
	[tilespmem:s18+$0xFFFFFFE0] =	vst v4  }
0x2e: {  	v5 =	vld.idx.msk [tilespmem:v0+s17+$0xFFFFFFD0 ss:$0x1], $0xffff;
	[tilespmem:s18+$0xFFFFFFF0] =	vst v3  }
.Ltmp3:
0x2f: {  	v4 =	vld.idx.msk [tilespmem:v0+s17+$0xFFFFFFE0 ss:$0x1], $0xffff;
	[tilespmem:s18+$0x0] =	vst v1;
	(pc) =	sbr.rel @p1 .LBB1_4-.Ltmp3, $4  }
0x30: {  	v3 =	vld.idx.msk [tilespmem:v0+s17+$0xFFFFFFF0 ss:$0x1], $0xffff;
	[tilespmem:s18+$0x10] =	vst v2  }
0x31: {  	v1 =	vld.idx.msk [tilespmem:v0+s17+$0x0 ss:$0x1], $0xffff;
	[tilespmem:s18+$0x20] =	vst v6;
	s18 =	sadd.s32 $0x800, s18  }
0x32: {  	v2 =	vld.idx.msk [tilespmem:v0+s17+$0x10 ss:$0x1], $0xffff;
	[tilespmem:s18+$0x30] =	vst v7  }
0x33: {  	[tilespmem:s18+$0xFFFFFFC0] =	vst v8;
	v6 =	vld.idx.msk [tilespmem:v0+s17+$0x20 ss:$0x1], $0xffff;
	s17 =	sshra.s32 s19, $0x2;
	s19 =	sadd.s32 $0x200, s19  }
0x34: {  	_ =	sdelay $0x2  }
0x35: {  	[tilespmem:s18+$0xFFFFFFD0] =	vst v5  }
0x36: {  	v56 =	vld.idx.msk [tilespmem:v0+s17+$0x30 ss:$0x1], $0xffff;
	[tilespmem:s18+$0xFFFFFFE0] =	vst v4  }
0x37: {  	v57 =	vld.idx.msk [tilespmem:v0+s17+$0xFFFFFFC0 ss:$0x1], $0xffff;
	[tilespmem:s18+$0xFFFFFFF0] =	vst v3  }
0x38: {  	v58 =	vld.idx.msk [tilespmem:v0+s17+$0xFFFFFFD0 ss:$0x1], $0xffff;
	[tilespmem:s18+$0x0] =	vst v1  }
0x39: {  	v59 =	vld.idx.msk [tilespmem:v0+s17+$0xFFFFFFE0 ss:$0x1], $0xffff;
	[tilespmem:s18+$0x10] =	vst v2  }
0x3a: {  	v60 =	vld.idx.msk [tilespmem:v0+s17+$0xFFFFFFF0 ss:$0x1], $0xffff;
	s31 =	sadd.s32 $0x800, s18;
	[tilespmem:s18+$0x20] =	vst v6  }
0x3b: {  	v61 =	vld.idx.msk [tilespmem:v0+s17+$0x0 ss:$0x1], $0xffff;
	[tilespmem:s31+$0x30] =	vst v56  }
0x3c: {  	v62 =	vld.idx.msk [tilespmem:v0+s17+$0x10 ss:$0x1], $0xffff;
	s16 =	sadd.s32 $0x1, s16;
	[tilespmem:s31+$0xFFFFFFC0] =	vst v57  }
0x3d: {  	v63 =	vld.idx.msk [tilespmem:v0+s17+$0x20 ss:$0x1], $0xffff;
	p1 =	sne.s32 s16, $0x10;
	[tilespmem:s31+$0xFFFFFFD0] =	vst v58  }
.Ltmp4:
0x3e: {  	[tilespmem:s31+$0xFFFFFFE0] =	vst v59;
	(pc) =	sbr.rel @p1 .LBB1_3-.Ltmp4, $4  }
0x3f: {  	[tilespmem:s31+$0xFFFFFFF0] =	vst v60  }
0x40: {  	[tilespmem:s31+$0x0] =	vst v61  }
0x41: {  	[tilespmem:s31+$0x10] =	vst v62  }
0x42: {  	s13 =	sadd.s32 $0x80, s13;
	s15 =	sadd.s32 $0x400, s15;
	[tilespmem:s31+$0x20] =	vst v63  }
.Ltmp5:
0x43: {  	(pc) =	sbr.rel .LBB1_7-.Ltmp5, $4  }
0x44: {  	s12 =	sshll.u32 s12, $0xC;
	s11 =	sshll.u32 s11, $0x4  }
0x45: {  	s11 =	sand.u32 $0x1F0, s11;
	s12 =	sadd.s32 s3, s12  }
0x46: {  	s11 =	sadd.s32 s11, s12  }
0x47: {  	[hbm4b:s11+s6] =	stream.strided.scatter [tilespmem:s14], [sflag:$0x2], $0x4000, s7, s6, $0x38;
	[tilespmem:$0x10000] =	vst v63  }
.LBB1_8:
0x48: {  	_ =	sfence.sel $0x180000  }
0x49: {  	s2 =	simm.s32 $0x1;
	[bflag:$0x0] =	sbarrier.arrive $0xFFFF  }
0x4a: {  	s31 =	simm.s32 $0x2;
	[sflag:s2] =	ssyncpa.u1 $0x1  }
0x4b: {  	[sflag:s31] =	ssyncpa.u1 $0x1  }
0x4c: {  	p0 =	sne.s32 s1, $0x0;
	_ =	strace $0x90000047  }
0x4d: {  	s0 =	sadd.s32 @!p0 $0x100000, s0;
	[bflag:$0x2] =	sbarrier.arrive $0xFFFF  }
0x4e: {  	[sflag:s0] =	ssyncadd.tile.s32 @!p0 $0x1;
	_ =	shalt  }
.Lfunc_end1:
_tile_overlayer_lowered:
.L_overlay_start_2:
0x4f: {  	(tag) =	ssettag $0x2  }
0x50: {  	s0 =	rddreg [dreg:$0x0];
	s2 =	stileid.u32  }
0x51: {  	s1 =	rddreg [dreg:$0x1];
	p0 =	sne.s32 s2, $0x0  }
0x52: {  	s3 =	rddreg [dreg:$0x2];
	[bflag:$0x3] =	sbarrier.arrive $0xFFFF;
	s2 =	simm.s32 @!p0 $0x1C01  }
0x53: {  	[timem:s3], [sflag:s2] =	dma.local @!p0 [hbm:s0], s1  }
0x54: {  	s0 =	simm.s32 @!p0 $0x1  }
0x55: {  	_ =	swait.ge @!p0 [sflag:s0], s1  }
0x56: {  	s1 =	ssub.s32 @!p0 $0x0, s1;
	[sflag:s0] =	ssyncset.done @!p0 $0x0  }
0x57: {  	[sflag:s0] =	ssyncadd.s32 @!p0 s1  }
0x58: {  	[bflag:$0x3] =	sbarrier.arrive $0xFFFF  }
0x59: {  	_ =	shalt  }

</sc_bundles>
